<compile_context>
chip_gen: v7x
topology: tpu7x:2x2x1
jax: 0.10.2.dev20260603
libtpu: 0.0.44.dev20260713+nightly
codegen_flags: <defaults>
</compile_context>

<pallas_src>
import functools

import jax
import jax.numpy as jnp
from jax import lax
from jax.experimental import pallas as pl
from jax.experimental.pallas import tpu as pltpu
from jax.experimental.pallas import tpu_sc as plsc

NC = 2
NS = 16
NW = NC * NS

IW = 128
KB = 8
KH = KB // 2


@jax.jit
def _embedding_gather(idx2d, table2):
    n_rows, _ = idx2d.shape
    V2, D = table2.shape
    rows_per_w = n_rows // NW
    n_blocks = rows_per_w // KB
    n_idx = n_rows * IW

    mesh = plsc.VectorSubcoreMesh(
        core_axis_name="c", subcore_axis_name="s",
        num_cores=NC, num_subcores=NS,
    )

    @functools.partial(
        pl.kernel,
        out_type=jax.ShapeDtypeStruct((n_idx, 2 * D), jnp.float32),
        mesh=mesh,
        scratch_types=[
            pltpu.VMEM((KB, IW), jnp.int32),
            pltpu.VMEM((KH * IW, D), jnp.float32),
            pltpu.VMEM((KH * IW, D), jnp.float32),
            pltpu.SemaphoreType.DMA,
            pltpu.SemaphoreType.DMA,
        ],
        compiler_params=pltpu.CompilerParams(use_tc_tiling_on_sc=False),
    )
    def body(idx_hbm, table_hbm, out_hbm, idx_v, rows0, rows1, sem_g, sem_o):
        wid = lax.axis_index("s") * NC + lax.axis_index("c")
        row0 = wid * rows_per_w
        rows_bufs = (rows0, rows1)

        def fire(buf, jofs):
            for j in range(KH):
                pltpu.async_copy(
                    table_hbm.at[idx_v.at[jofs + j]],
                    rows_bufs[buf].at[pl.ds(j * IW, IW)],
                    sem_g,
                )

        def drain(buf, jofs):
            for j in range(KH):
                pltpu.make_async_copy(
                    table_hbm.at[idx_v.at[jofs + j]],
                    rows_bufs[buf].at[pl.ds(j * IW, IW)],
                    sem_g,
                ).wait()

        def store(h, buf, half):
            pltpu.async_copy(
                rows_bufs[buf],
                out_hbm.at[pl.ds((row0 + h * KB + half * KH) * IW, KH * IW),
                           pl.ds(0, D)],
                sem_o,
            )

        def store_wait(h, buf, half):
            pltpu.make_async_copy(
                rows_bufs[buf],
                out_hbm.at[pl.ds((row0 + h * KB + half * KH) * IW, KH * IW),
                           pl.ds(0, D)],
                sem_o,
            ).wait()

        def block(h, carry):
            pltpu.sync_copy(idx_hbm.at[pl.ds(row0 + h * KB, KB)], idx_v)
            fire(0, 0)

            @pl.when(h > 0)
            def _():
                store_wait(h - 1, 1, 1)
            drain(0, 0)
            store(h, 0, 0)
            fire(1, KH)
            store_wait(h, 0, 0)
            drain(1, KH)
            store(h, 1, 1)
            return carry

        lax.fori_loop(0, n_blocks, block, 0)
        store_wait(n_blocks - 1, 1, 1)

    return body(idx2d, table2)


def kernel(words, table):
    B, H = words.shape
    V, D = table.shape
    idx2d = (words.astype(jnp.int32) * 2).reshape((B * H) // IW, IW)
    table2 = jnp.pad(table, ((0, 0), (0, D))).reshape(2 * V, D)
    out = _embedding_gather(idx2d, table2)
    return out[:, :D].reshape(B, H, D)

# --- scband reference (transcript-rebuilt; emitter-appended) ---
"""Pipeline reference for scband-embedding-dropout-63110249447551 (READ-ONLY COPY).

The authoritative reference and input builder live on the scoring server;
editing this copy changes nothing except your own understanding.
"""

import jax, jax.numpy as jnp
import numpy as np

VOCAB = 1000000
EMBED_DIM = 64
BATCH = 4096
HIST = 200

def setup_inputs(seed: int = 0) -> dict:
    key = jax.random.key(seed)
    k1, k2 = jax.random.split(key)
    words = jax.random.randint(k1, (BATCH, HIST), 0, VOCAB, dtype=jnp.int64 if jax.config.jax_enable_x64 else jnp.int32)
    table = jax.random.normal(k2, (VOCAB, EMBED_DIM), dtype=jnp.float32) * 0.02
    return {"words": words, "table": table}

def reference(words, table):
    # EmbeddingDropout in eval mode (or dropout path disabled): plain embedding lookup,
    # no scale (scale=None), no padding_idx / max_norm on the wrapped nn.Embedding.
    return jnp.take(table, words, axis=0)

if __name__ == "__main__":
    import jax
    _d = setup_inputs()
    print(jax.jit(kernel)(*tuple(_d.values())))

</pallas_src>

<mosaic_0001>
#map = affine_map<(d0, d1) -> (0, 0)>
module attributes {stable_mosaic.version = 14 : i64} {
  func.func @body(%arg0: i32, %arg1: i32, %arg2: memref<6400x128xi32, #tpu.memory_space<hbm>>, %arg3: memref<2000000x64xf32, #tpu.memory_space<hbm>>, %arg4: memref<819200x128xf32, #tpu.memory_space<hbm>>, %arg5: memref<8x128xi32, #tpu.memory_space<vmem>>, %arg6: memref<512x64xf32, #tpu.memory_space<vmem>>, %arg7: memref<512x64xf32, #tpu.memory_space<vmem>>, %arg8: memref<!tpu.dma_semaphore, #tpu.memory_space<semaphore_mem>>, %arg9: memref<!tpu.dma_semaphore, #tpu.memory_space<semaphore_mem>>) attributes {dimension_semantics = [#tpu.dimension_semantics<core_parallel>, #tpu.dimension_semantics<subcore_parallel>], iteration_bounds = array<i64: 2, 16>, scalar_prefetch = 0 : i64, scratch_operands = 5 : i64, tpu.core_type = #tpu.core_type<sc_vector_subcore>, window_params = [{transform_indices = #map}, {transform_indices = #map}, {transform_indices = #map}]} {
    %mul3A = arith.constant 2 : i32
    %mul3A_0 = arith.muli %arg1, %mul3A : i32
    %add3A = arith.addi %mul3A_0, %arg0 : i32
    %mul3A_1 = arith.constant 200 : i32
    %mul3A_2 = arith.muli %add3A, %mul3A_1 : i32
    %scan3A = arith.constant 0 : i32
    %scan3A_3 = arith.constant 0 : i32
    %scan3A_4 = arith.constant 25 : i32
    %scan3A_5 = arith.addi %scan3A_3, %scan3A_4 : i32
    %scan3A_6 = arith.constant 1 : i32
    scf.for %scan3A_17 = %scan3A_3 to %scan3A_5 step %scan3A_6  : i32 {
      %mul3A_18 = arith.constant 8 : i32
      %mul3A_19 = arith.muli %scan3A_17, %mul3A_18 : i32
      %add3A_20 = arith.addi %mul3A_2, %mul3A_19 : i32
      "tpu.region"() ({
        %run_scoped3A = tpu.sem_alloc : memref<!tpu.dma_semaphore, #tpu.memory_space<semaphore_mem>>
        %dma_start3A_215 = arith.constant 0 : i32
        %dma_start3A_216 = tpu.memref_slice %arg2[%add3A_20, %dma_start3A_215] : memref<6400x128xi32, #tpu.memory_space<hbm>> -> memref<8x128xi32, #tpu.memory_space<hbm>>
        %dma_start3A_217 = arith.constant 0 : i32
        %dma_start3A_218 = tpu.memref_slice %arg2[%add3A_20, %dma_start3A_217] : memref<6400x128xi32, #tpu.memory_space<hbm>> -> memref<8x128xi32, #tpu.memory_space<hbm>>
        tpu.enqueue_dma source(%dma_start3A_218 : memref<8x128xi32, #tpu.memory_space<hbm>>) target(%arg5 : memref<8x128xi32, #tpu.memory_space<vmem>>) target_semaphore(%run_scoped3A : memref<!tpu.dma_semaphore, #tpu.memory_space<semaphore_mem>>)
        %dma_wait3A_219 = arith.constant 0 : i32
        %dma_wait3A_220 = tpu.memref_slice %arg2[%add3A_20, %dma_wait3A_219] : memref<6400x128xi32, #tpu.memory_space<hbm>> -> memref<8x128xi32, #tpu.memory_space<hbm>>
        %dma_wait3A_221 = arith.constant 0 : i32
        %dma_wait3A_222 = tpu.memref_slice %arg2[%add3A_20, %dma_wait3A_221] : memref<6400x128xi32, #tpu.memory_space<hbm>> -> memref<8x128xi32, #tpu.memory_space<hbm>>
        tpu.wait_dma2 semaphore(%run_scoped3A : memref<!tpu.dma_semaphore, #tpu.memory_space<semaphore_mem>>) src(%dma_wait3A_222 : memref<8x128xi32, #tpu.memory_space<hbm>>) dst(%arg5 : memref<8x128xi32, #tpu.memory_space<vmem>>)
        tpu.yield
      }) : () -> ()
      %dma_start3A = arith.constant 0 : i32
      %dma_start3A_21 = arith.constant 0 : i32
      %dma_start3A_22 = arith.constant 0 : i32
      %dma_start3A_23 = tpu.memref_slice %arg6[%dma_start3A_21, %dma_start3A_22] : memref<512x64xf32, #tpu.memory_space<vmem>> -> memref<128x64xf32, #tpu.memory_space<vmem>>
      %dma_start3A_24 = arith.constant 0 : i32
      %dma_start3A_25 = tpu.memref_slice %arg5[%dma_start3A, %dma_start3A_24] : memref<8x128xi32, #tpu.memory_space<vmem>> -> memref<1x128xi32, #tpu.memory_space<vmem>>
      %dma_start3A_26 = tpu.memref_squeeze %dma_start3A_25 : memref<1x128xi32, #tpu.memory_space<vmem>> -> memref<128xi32, #tpu.memory_space<vmem>>
      %dma_start3A_27 = arith.constant 0 : i32
      %dma_start3A_28 = arith.constant 0 : i32
      %dma_start3A_29 = tpu.memref_slice %arg3[%dma_start3A_27, %dma_start3A_28] : memref<2000000x64xf32, #tpu.memory_space<hbm>> -> memref<2000000x64xf32, #tpu.memory_space<hbm>>
      tpu.enqueue_indirect_dma source(%dma_start3A_29 : memref<2000000x64xf32, #tpu.memory_space<hbm>>) target(%dma_start3A_23 : memref<128x64xf32, #tpu.memory_space<vmem>>) offsets(%dma_start3A_26 : memref<128xi32, #tpu.memory_space<vmem>>) semaphore(%arg8 : memref<!tpu.dma_semaphore, #tpu.memory_space<semaphore_mem>>)
      %dma_start3A_30 = arith.constant 1 : i32
      %dma_start3A_31 = arith.constant 128 : i32
      %dma_start3A_32 = arith.constant 0 : i32
      %dma_start3A_33 = tpu.memref_slice %arg6[%dma_start3A_31, %dma_start3A_32] : memref<512x64xf32, #tpu.memory_space<vmem>> -> memref<128x64xf32, #tpu.memory_space<vmem>>
      %dma_start3A_34 = arith.constant 0 : i32
      %dma_start3A_35 = tpu.memref_slice %arg5[%dma_start3A_30, %dma_start3A_34] : memref<8x128xi32, #tpu.memory_space<vmem>> -> memref<1x128xi32, #tpu.memory_space<vmem>>
      %dma_start3A_36 = tpu.memref_squeeze %dma_start3A_35 : memref<1x128xi32, #tpu.memory_space<vmem>> -> memref<128xi32, #tpu.memory_space<vmem>>
      %dma_start3A_37 = arith.constant 0 : i32
      %dma_start3A_38 = arith.constant 0 : i32
      %dma_start3A_39 = tpu.memref_slice %arg3[%dma_start3A_37, %dma_start3A_38] : memref<2000000x64xf32, #tpu.memory_space<hbm>> -> memref<2000000x64xf32, #tpu.memory_space<hbm>>
      tpu.enqueue_indirect_dma source(%dma_start3A_39 : memref<2000000x64xf32, #tpu.memory_space<hbm>>) target(%dma_start3A_33 : memref<128x64xf32, #tpu.memory_space<vmem>>) offsets(%dma_start3A_36 : memref<128xi32, #tpu.memory_space<vmem>>) semaphore(%arg8 : memref<!tpu.dma_semaphore, #tpu.memory_space<semaphore_mem>>)
      %dma_start3A_40 = arith.constant 2 : i32
      %dma_start3A_41 = arith.constant 256 : i32
      %dma_start3A_42 = arith.constant 0 : i32
      %dma_start3A_43 = tpu.memref_slice %arg6[%dma_start3A_41, %dma_start3A_42] : memref<512x64xf32, #tpu.memory_space<vmem>> -> memref<128x64xf32, #tpu.memory_space<vmem>>
      %dma_start3A_44 = arith.constant 0 : i32
      %dma_start3A_45 = tpu.memref_slice %arg5[%dma_start3A_40, %dma_start3A_44] : memref<8x128xi32, #tpu.memory_space<vmem>> -> memref<1x128xi32, #tpu.memory_space<vmem>>
      %dma_start3A_46 = tpu.memref_squeeze %dma_start3A_45 : memref<1x128xi32, #tpu.memory_space<vmem>> -> memref<128xi32, #tpu.memory_space<vmem>>
      %dma_start3A_47 = arith.constant 0 : i32
      %dma_start3A_48 = arith.constant 0 : i32
      %dma_start3A_49 = tpu.memref_slice %arg3[%dma_start3A_47, %dma_start3A_48] : memref<2000000x64xf32, #tpu.memory_space<hbm>> -> memref<2000000x64xf32, #tpu.memory_space<hbm>>
      tpu.enqueue_indirect_dma source(%dma_start3A_49 : memref<2000000x64xf32, #tpu.memory_space<hbm>>) target(%dma_start3A_43 : memref<128x64xf32, #tpu.memory_space<vmem>>) offsets(%dma_start3A_46 : memref<128xi32, #tpu.memory_space<vmem>>) semaphore(%arg8 : memref<!tpu.dma_semaphore, #tpu.memory_space<semaphore_mem>>)
      %dma_start3A_50 = arith.constant 3 : i32
      %dma_start3A_51 = arith.constant 384 : i32
      %dma_start3A_52 = arith.constant 0 : i32
      %dma_start3A_53 = tpu.memref_slice %arg6[%dma_start3A_51, %dma_start3A_52] : memref<512x64xf32, #tpu.memory_space<vmem>> -> memref<128x64xf32, #tpu.memory_space<vmem>>
      %dma_start3A_54 = arith.constant 0 : i32
      %dma_start3A_55 = tpu.memref_slice %arg5[%dma_start3A_50, %dma_start3A_54] : memref<8x128xi32, #tpu.memory_space<vmem>> -> memref<1x128xi32, #tpu.memory_space<vmem>>
      %dma_start3A_56 = tpu.memref_squeeze %dma_start3A_55 : memref<1x128xi32, #tpu.memory_space<vmem>> -> memref<128xi32, #tpu.memory_space<vmem>>
      %dma_start3A_57 = arith.constant 0 : i32
      %dma_start3A_58 = arith.constant 0 : i32
      %dma_start3A_59 = tpu.memref_slice %arg3[%dma_start3A_57, %dma_start3A_58] : memref<2000000x64xf32, #tpu.memory_space<hbm>> -> memref<2000000x64xf32, #tpu.memory_space<hbm>>
      tpu.enqueue_indirect_dma source(%dma_start3A_59 : memref<2000000x64xf32, #tpu.memory_space<hbm>>) target(%dma_start3A_53 : memref<128x64xf32, #tpu.memory_space<vmem>>) offsets(%dma_start3A_56 : memref<128xi32, #tpu.memory_space<vmem>>) semaphore(%arg8 : memref<!tpu.dma_semaphore, #tpu.memory_space<semaphore_mem>>)
      %gt3A = arith.constant 0 : i32
      %gt3A_60 = arith.cmpi sgt, %scan3A_17, %gt3A : i32
      %convert_element_type3A = arith.extui %gt3A_60 : i1 to i32
      %cond3A = arith.constant 0 : i32
      %cond3A_61 = arith.cmpi ne, %convert_element_type3A, %cond3A : i32
      scf.if %cond3A_61 {
        %sub3A = arith.constant 1 : i32
        %sub3A_215 = arith.subi %scan3A_17, %sub3A : i32
        %mul3A_216 = arith.constant 8 : i32
        %mul3A_217 = arith.muli %sub3A_215, %mul3A_216 : i32
        %add3A_218 = arith.addi %mul3A_2, %mul3A_217 : i32
        %add3A_219 = arith.constant 4 : i32
        %add3A_220 = arith.addi %add3A_218, %add3A_219 : i32
        %mul3A_221 = arith.constant 128 : i32
        %mul3A_222 = arith.muli %add3A_220, %mul3A_221 : i32
        %dma_wait3A_223 = arith.constant 0 : i32
        %dma_wait3A_224 = tpu.memref_slice %arg4[%mul3A_222, %dma_wait3A_223] : memref<819200x128xf32, #tpu.memory_space<hbm>> -> memref<512x64xf32, #tpu.memory_space<hbm>>
        %dma_wait3A_225 = arith.constant 0 : i32
        %dma_wait3A_226 = tpu.memref_slice %arg4[%mul3A_222, %dma_wait3A_225] : memref<819200x128xf32, #tpu.memory_space<hbm>> -> memref<512x64xf32, #tpu.memory_space<hbm>>
        tpu.wait_dma2 semaphore(%arg9 : memref<!tpu.dma_semaphore, #tpu.memory_space<semaphore_mem>>) src(%arg7 : memref<512x64xf32, #tpu.memory_space<vmem>>) dst(%dma_wait3A_226 : memref<512x64xf32, #tpu.memory_space<hbm>>)
      } else {
      }
      %dma_wait3A_62 = arith.constant 0 : i32
      %dma_wait3A_63 = arith.constant 0 : i32
      %dma_wait3A_64 = arith.constant 0 : i32
      %dma_wait3A_65 = tpu.memref_slice %arg6[%dma_wait3A_63, %dma_wait3A_64] : memref<512x64xf32, #tpu.memory_space<vmem>> -> memref<128x64xf32, #tpu.memory_space<vmem>>
      %dma_wait3A_66 = arith.constant 0 : i32
      %dma_wait3A_67 = tpu.memref_slice %arg5[%dma_wait3A_62, %dma_wait3A_66] : memref<8x128xi32, #tpu.memory_space<vmem>> -> memref<1x128xi32, #tpu.memory_space<vmem>>
      %dma_wait3A_68 = tpu.memref_squeeze %dma_wait3A_67 : memref<1x128xi32, #tpu.memory_space<vmem>> -> memref<128xi32, #tpu.memory_space<vmem>>
      %dma_wait3A_69 = arith.constant 0 : i32
      %dma_wait3A_70 = arith.constant 0 : i32
      %dma_wait3A_71 = tpu.memref_slice %arg3[%dma_wait3A_69, %dma_wait3A_70] : memref<2000000x64xf32, #tpu.memory_space<hbm>> -> memref<2000000x64xf32, #tpu.memory_space<hbm>>
      tpu.wait_indirect_dma semaphore(%arg8 : memref<!tpu.dma_semaphore, #tpu.memory_space<semaphore_mem>>) src(%dma_wait3A_71 : memref<2000000x64xf32, #tpu.memory_space<hbm>>) dst(%dma_wait3A_65 : memref<128x64xf32, #tpu.memory_space<vmem>>)
      %dma_wait3A_72 = arith.constant 1 : i32
      %dma_wait3A_73 = arith.constant 128 : i32
      %dma_wait3A_74 = arith.constant 0 : i32
      %dma_wait3A_75 = tpu.memref_slice %arg6[%dma_wait3A_73, %dma_wait3A_74] : memref<512x64xf32, #tpu.memory_space<vmem>> -> memref<128x64xf32, #tpu.memory_space<vmem>>
      %dma_wait3A_76 = arith.constant 0 : i32
      %dma_wait3A_77 = tpu.memref_slice %arg5[%dma_wait3A_72, %dma_wait3A_76] : memref<8x128xi32, #tpu.memory_space<vmem>> -> memref<1x128xi32, #tpu.memory_space<vmem>>
      %dma_wait3A_78 = tpu.memref_squeeze %dma_wait3A_77 : memref<1x128xi32, #tpu.memory_space<vmem>> -> memref<128xi32, #tpu.memory_space<vmem>>
      %dma_wait3A_79 = arith.constant 0 : i32
      %dma_wait3A_80 = arith.constant 0 : i32
      %dma_wait3A_81 = tpu.memref_slice %arg3[%dma_wait3A_79, %dma_wait3A_80] : memref<2000000x64xf32, #tpu.memory_space<hbm>> -> memref<2000000x64xf32, #tpu.memory_space<hbm>>
      tpu.wait_indirect_dma semaphore(%arg8 : memref<!tpu.dma_semaphore, #tpu.memory_space<semaphore_mem>>) src(%dma_wait3A_81 : memref<2000000x64xf32, #tpu.memory_space<hbm>>) dst(%dma_wait3A_75 : memref<128x64xf32, #tpu.memory_space<vmem>>)
      %dma_wait3A_82 = arith.constant 2 : i32
      %dma_wait3A_83 = arith.constant 256 : i32
      %dma_wait3A_84 = arith.constant 0 : i32
      %dma_wait3A_85 = tpu.memref_slice %arg6[%dma_wait3A_83, %dma_wait3A_84] : memref<512x64xf32, #tpu.memory_space<vmem>> -> memref<128x64xf32, #tpu.memory_space<vmem>>
      %dma_wait3A_86 = arith.constant 0 : i32
      %dma_wait3A_87 = tpu.memref_slice %arg5[%dma_wait3A_82, %dma_wait3A_86] : memref<8x128xi32, #tpu.memory_space<vmem>> -> memref<1x128xi32, #tpu.memory_space<vmem>>
      %dma_wait3A_88 = tpu.memref_squeeze %dma_wait3A_87 : memref<1x128xi32, #tpu.memory_space<vmem>> -> memref<128xi32, #tpu.memory_space<vmem>>
      %dma_wait3A_89 = arith.constant 0 : i32
      %dma_wait3A_90 = arith.constant 0 : i32
      %dma_wait3A_91 = tpu.memref_slice %arg3[%dma_wait3A_89, %dma_wait3A_90] : memref<2000000x64xf32, #tpu.memory_space<hbm>> -> memref<2000000x64xf32, #tpu.memory_space<hbm>>
      tpu.wait_indirect_dma semaphore(%arg8 : memref<!tpu.dma_semaphore, #tpu.memory_space<semaphore_mem>>) src(%dma_wait3A_91 : memref<2000000x64xf32, #tpu.memory_space<hbm>>) dst(%dma_wait3A_85 : memref<128x64xf32, #tpu.memory_space<vmem>>)
      %dma_wait3A_92 = arith.constant 3 : i32
      %dma_wait3A_93 = arith.constant 384 : i32
      %dma_wait3A_94 = arith.constant 0 : i32
      %dma_wait3A_95 = tpu.memref_slice %arg6[%dma_wait3A_93, %dma_wait3A_94] : memref<512x64xf32, #tpu.memory_space<vmem>> -> memref<128x64xf32, #tpu.memory_space<vmem>>
      %dma_wait3A_96 = arith.constant 0 : i32
      %dma_wait3A_97 = tpu.memref_slice %arg5[%dma_wait3A_92, %dma_wait3A_96] : memref<8x128xi32, #tpu.memory_space<vmem>> -> memref<1x128xi32, #tpu.memory_space<vmem>>
      %dma_wait3A_98 = tpu.memref_squeeze %dma_wait3A_97 : memref<1x128xi32, #tpu.memory_space<vmem>> -> memref<128xi32, #tpu.memory_space<vmem>>
      %dma_wait3A_99 = arith.constant 0 : i32
      %dma_wait3A_100 = arith.constant 0 : i32
      %dma_wait3A_101 = tpu.memref_slice %arg3[%dma_wait3A_99, %dma_wait3A_100] : memref<2000000x64xf32, #tpu.memory_space<hbm>> -> memref<2000000x64xf32, #tpu.memory_space<hbm>>
      tpu.wait_indirect_dma semaphore(%arg8 : memref<!tpu.dma_semaphore, #tpu.memory_space<semaphore_mem>>) src(%dma_wait3A_101 : memref<2000000x64xf32, #tpu.memory_space<hbm>>) dst(%dma_wait3A_95 : memref<128x64xf32, #tpu.memory_space<vmem>>)
      %mul3A_102 = arith.constant 8 : i32
      %mul3A_103 = arith.muli %scan3A_17, %mul3A_102 : i32
      %add3A_104 = arith.addi %mul3A_2, %mul3A_103 : i32
      %add3A_105 = arith.constant 0 : i32
      %add3A_106 = arith.addi %add3A_104, %add3A_105 : i32
      %mul3A_107 = arith.constant 128 : i32
      %mul3A_108 = arith.muli %add3A_106, %mul3A_107 : i32
      %dma_start3A_109 = arith.constant 0 : i32
      %dma_start3A_110 = tpu.memref_slice %arg4[%mul3A_108, %dma_start3A_109] : memref<819200x128xf32, #tpu.memory_space<hbm>> -> memref<512x64xf32, #tpu.memory_space<hbm>>
      %dma_start3A_111 = arith.constant 0 : i32
      %dma_start3A_112 = tpu.memref_slice %arg4[%mul3A_108, %dma_start3A_111] : memref<819200x128xf32, #tpu.memory_space<hbm>> -> memref<512x64xf32, #tpu.memory_space<hbm>>
      tpu.enqueue_dma source(%arg6 : memref<512x64xf32, #tpu.memory_space<vmem>>) target(%dma_start3A_112 : memref<512x64xf32, #tpu.memory_space<hbm>>) target_semaphore(%arg9 : memref<!tpu.dma_semaphore, #tpu.memory_space<semaphore_mem>>)
      %dma_start3A_113 = arith.constant 4 : i32
      %dma_start3A_114 = arith.constant 0 : i32
      %dma_start3A_115 = arith.constant 0 : i32
      %dma_start3A_116 = tpu.memref_slice %arg7[%dma_start3A_114, %dma_start3A_115] : memref<512x64xf32, #tpu.memory_space<vmem>> -> memref<128x64xf32, #tpu.memory_space<vmem>>
      %dma_start3A_117 = arith.constant 0 : i32
      %dma_start3A_118 = tpu.memref_slice %arg5[%dma_start3A_113, %dma_start3A_117] : memref<8x128xi32, #tpu.memory_space<vmem>> -> memref<1x128xi32, #tpu.memory_space<vmem>>
      %dma_start3A_119 = tpu.memref_squeeze %dma_start3A_118 : memref<1x128xi32, #tpu.memory_space<vmem>> -> memref<128xi32, #tpu.memory_space<vmem>>
      %dma_start3A_120 = arith.constant 0 : i32
      %dma_start3A_121 = arith.constant 0 : i32
      %dma_start3A_122 = tpu.memref_slice %arg3[%dma_start3A_120, %dma_start3A_121] : memref<2000000x64xf32, #tpu.memory_space<hbm>> -> memref<2000000x64xf32, #tpu.memory_space<hbm>>
      tpu.enqueue_indirect_dma source(%dma_start3A_122 : memref<2000000x64xf32, #tpu.memory_space<hbm>>) target(%dma_start3A_116 : memref<128x64xf32, #tpu.memory_space<vmem>>) offsets(%dma_start3A_119 : memref<128xi32, #tpu.memory_space<vmem>>) semaphore(%arg8 : memref<!tpu.dma_semaphore, #tpu.memory_space<semaphore_mem>>)
      %dma_start3A_123 = arith.constant 5 : i32
      %dma_start3A_124 = arith.constant 128 : i32
      %dma_start3A_125 = arith.constant 0 : i32
      %dma_start3A_126 = tpu.memref_slice %arg7[%dma_start3A_124, %dma_start3A_125] : memref<512x64xf32, #tpu.memory_space<vmem>> -> memref<128x64xf32, #tpu.memory_space<vmem>>
      %dma_start3A_127 = arith.constant 0 : i32
      %dma_start3A_128 = tpu.memref_slice %arg5[%dma_start3A_123, %dma_start3A_127] : memref<8x128xi32, #tpu.memory_space<vmem>> -> memref<1x128xi32, #tpu.memory_space<vmem>>
      %dma_start3A_129 = tpu.memref_squeeze %dma_start3A_128 : memref<1x128xi32, #tpu.memory_space<vmem>> -> memref<128xi32, #tpu.memory_space<vmem>>
      %dma_start3A_130 = arith.constant 0 : i32
      %dma_start3A_131 = arith.constant 0 : i32
      %dma_start3A_132 = tpu.memref_slice %arg3[%dma_start3A_130, %dma_start3A_131] : memref<2000000x64xf32, #tpu.memory_space<hbm>> -> memref<2000000x64xf32, #tpu.memory_space<hbm>>
      tpu.enqueue_indirect_dma source(%dma_start3A_132 : memref<2000000x64xf32, #tpu.memory_space<hbm>>) target(%dma_start3A_126 : memref<128x64xf32, #tpu.memory_space<vmem>>) offsets(%dma_start3A_129 : memref<128xi32, #tpu.memory_space<vmem>>) semaphore(%arg8 : memref<!tpu.dma_semaphore, #tpu.memory_space<semaphore_mem>>)
      %dma_start3A_133 = arith.constant 6 : i32
      %dma_start3A_134 = arith.constant 256 : i32
      %dma_start3A_135 = arith.constant 0 : i32
      %dma_start3A_136 = tpu.memref_slice %arg7[%dma_start3A_134, %dma_start3A_135] : memref<512x64xf32, #tpu.memory_space<vmem>> -> memref<128x64xf32, #tpu.memory_space<vmem>>
      %dma_start3A_137 = arith.constant 0 : i32
      %dma_start3A_138 = tpu.memref_slice %arg5[%dma_start3A_133, %dma_start3A_137] : memref<8x128xi32, #tpu.memory_space<vmem>> -> memref<1x128xi32, #tpu.memory_space<vmem>>
      %dma_start3A_139 = tpu.memref_squeeze %dma_start3A_138 : memref<1x128xi32, #tpu.memory_space<vmem>> -> memref<128xi32, #tpu.memory_space<vmem>>
      %dma_start3A_140 = arith.constant 0 : i32
      %dma_start3A_141 = arith.constant 0 : i32
      %dma_start3A_142 = tpu.memref_slice %arg3[%dma_start3A_140, %dma_start3A_141] : memref<2000000x64xf32, #tpu.memory_space<hbm>> -> memref<2000000x64xf32, #tpu.memory_space<hbm>>
      tpu.enqueue_indirect_dma source(%dma_start3A_142 : memref<2000000x64xf32, #tpu.memory_space<hbm>>) target(%dma_start3A_136 : memref<128x64xf32, #tpu.memory_space<vmem>>) offsets(%dma_start3A_139 : memref<128xi32, #tpu.memory_space<vmem>>) semaphore(%arg8 : memref<!tpu.dma_semaphore, #tpu.memory_space<semaphore_mem>>)
      %dma_start3A_143 = arith.constant 7 : i32
      %dma_start3A_144 = arith.constant 384 : i32
      %dma_start3A_145 = arith.constant 0 : i32
      %dma_start3A_146 = tpu.memref_slice %arg7[%dma_start3A_144, %dma_start3A_145] : memref<512x64xf32, #tpu.memory_space<vmem>> -> memref<128x64xf32, #tpu.memory_space<vmem>>
      %dma_start3A_147 = arith.constant 0 : i32
      %dma_start3A_148 = tpu.memref_slice %arg5[%dma_start3A_143, %dma_start3A_147] : memref<8x128xi32, #tpu.memory_space<vmem>> -> memref<1x128xi32, #tpu.memory_space<vmem>>
      %dma_start3A_149 = tpu.memref_squeeze %dma_start3A_148 : memref<1x128xi32, #tpu.memory_space<vmem>> -> memref<128xi32, #tpu.memory_space<vmem>>
      %dma_start3A_150 = arith.constant 0 : i32
      %dma_start3A_151 = arith.constant 0 : i32
      %dma_start3A_152 = tpu.memref_slice %arg3[%dma_start3A_150, %dma_start3A_151] : memref<2000000x64xf32, #tpu.memory_space<hbm>> -> memref<2000000x64xf32, #tpu.memory_space<hbm>>
      tpu.enqueue_indirect_dma source(%dma_start3A_152 : memref<2000000x64xf32, #tpu.memory_space<hbm>>) target(%dma_start3A_146 : memref<128x64xf32, #tpu.memory_space<vmem>>) offsets(%dma_start3A_149 : memref<128xi32, #tpu.memory_space<vmem>>) semaphore(%arg8 : memref<!tpu.dma_semaphore, #tpu.memory_space<semaphore_mem>>)
      %mul3A_153 = arith.constant 8 : i32
      %mul3A_154 = arith.muli %scan3A_17, %mul3A_153 : i32
      %add3A_155 = arith.addi %mul3A_2, %mul3A_154 : i32
      %add3A_156 = arith.constant 0 : i32
      %add3A_157 = arith.addi %add3A_155, %add3A_156 : i32
      %mul3A_158 = arith.constant 128 : i32
      %mul3A_159 = arith.muli %add3A_157, %mul3A_158 : i32
      %dma_wait3A_160 = arith.constant 0 : i32
      %dma_wait3A_161 = tpu.memref_slice %arg4[%mul3A_159, %dma_wait3A_160] : memref<819200x128xf32, #tpu.memory_space<hbm>> -> memref<512x64xf32, #tpu.memory_space<hbm>>
      %dma_wait3A_162 = arith.constant 0 : i32
      %dma_wait3A_163 = tpu.memref_slice %arg4[%mul3A_159, %dma_wait3A_162] : memref<819200x128xf32, #tpu.memory_space<hbm>> -> memref<512x64xf32, #tpu.memory_space<hbm>>
      tpu.wait_dma2 semaphore(%arg9 : memref<!tpu.dma_semaphore, #tpu.memory_space<semaphore_mem>>) src(%arg6 : memref<512x64xf32, #tpu.memory_space<vmem>>) dst(%dma_wait3A_163 : memref<512x64xf32, #tpu.memory_space<hbm>>)
      %dma_wait3A_164 = arith.constant 4 : i32
      %dma_wait3A_165 = arith.constant 0 : i32
      %dma_wait3A_166 = arith.constant 0 : i32
      %dma_wait3A_167 = tpu.memref_slice %arg7[%dma_wait3A_165, %dma_wait3A_166] : memref<512x64xf32, #tpu.memory_space<vmem>> -> memref<128x64xf32, #tpu.memory_space<vmem>>
      %dma_wait3A_168 = arith.constant 0 : i32
      %dma_wait3A_169 = tpu.memref_slice %arg5[%dma_wait3A_164, %dma_wait3A_168] : memref<8x128xi32, #tpu.memory_space<vmem>> -> memref<1x128xi32, #tpu.memory_space<vmem>>
      %dma_wait3A_170 = tpu.memref_squeeze %dma_wait3A_169 : memref<1x128xi32, #tpu.memory_space<vmem>> -> memref<128xi32, #tpu.memory_space<vmem>>
      %dma_wait3A_171 = arith.constant 0 : i32
      %dma_wait3A_172 = arith.constant 0 : i32
      %dma_wait3A_173 = tpu.memref_slice %arg3[%dma_wait3A_171, %dma_wait3A_172] : memref<2000000x64xf32, #tpu.memory_space<hbm>> -> memref<2000000x64xf32, #tpu.memory_space<hbm>>
      tpu.wait_indirect_dma semaphore(%arg8 : memref<!tpu.dma_semaphore, #tpu.memory_space<semaphore_mem>>) src(%dma_wait3A_173 : memref<2000000x64xf32, #tpu.memory_space<hbm>>) dst(%dma_wait3A_167 : memref<128x64xf32, #tpu.memory_space<vmem>>)
      %dma_wait3A_174 = arith.constant 5 : i32
      %dma_wait3A_175 = arith.constant 128 : i32
      %dma_wait3A_176 = arith.constant 0 : i32
      %dma_wait3A_177 = tpu.memref_slice %arg7[%dma_wait3A_175, %dma_wait3A_176] : memref<512x64xf32, #tpu.memory_space<vmem>> -> memref<128x64xf32, #tpu.memory_space<vmem>>
      %dma_wait3A_178 = arith.constant 0 : i32
      %dma_wait3A_179 = tpu.memref_slice %arg5[%dma_wait3A_174, %dma_wait3A_178] : memref<8x128xi32, #tpu.memory_space<vmem>> -> memref<1x128xi32, #tpu.memory_space<vmem>>
      %dma_wait3A_180 = tpu.memref_squeeze %dma_wait3A_179 : memref<1x128xi32, #tpu.memory_space<vmem>> -> memref<128xi32, #tpu.memory_space<vmem>>
      %dma_wait3A_181 = arith.constant 0 : i32
      %dma_wait3A_182 = arith.constant 0 : i32
      %dma_wait3A_183 = tpu.memref_slice %arg3[%dma_wait3A_181, %dma_wait3A_182] : memref<2000000x64xf32, #tpu.memory_space<hbm>> -> memref<2000000x64xf32, #tpu.memory_space<hbm>>
      tpu.wait_indirect_dma semaphore(%arg8 : memref<!tpu.dma_semaphore, #tpu.memory_space<semaphore_mem>>) src(%dma_wait3A_183 : memref<2000000x64xf32, #tpu.memory_space<hbm>>) dst(%dma_wait3A_177 : memref<128x64xf32, #tpu.memory_space<vmem>>)
      %dma_wait3A_184 = arith.constant 6 : i32
      %dma_wait3A_185 = arith.constant 256 : i32
      %dma_wait3A_186 = arith.constant 0 : i32
      %dma_wait3A_187 = tpu.memref_slice %arg7[%dma_wait3A_185, %dma_wait3A_186] : memref<512x64xf32, #tpu.memory_space<vmem>> -> memref<128x64xf32, #tpu.memory_space<vmem>>
      %dma_wait3A_188 = arith.constant 0 : i32
      %dma_wait3A_189 = tpu.memref_slice %arg5[%dma_wait3A_184, %dma_wait3A_188] : memref<8x128xi32, #tpu.memory_space<vmem>> -> memref<1x128xi32, #tpu.memory_space<vmem>>
      %dma_wait3A_190 = tpu.memref_squeeze %dma_wait3A_189 : memref<1x128xi32, #tpu.memory_space<vmem>> -> memref<128xi32, #tpu.memory_space<vmem>>
      %dma_wait3A_191 = arith.constant 0 : i32
      %dma_wait3A_192 = arith.constant 0 : i32
      %dma_wait3A_193 = tpu.memref_slice %arg3[%dma_wait3A_191, %dma_wait3A_192] : memref<2000000x64xf32, #tpu.memory_space<hbm>> -> memref<2000000x64xf32, #tpu.memory_space<hbm>>
      tpu.wait_indirect_dma semaphore(%arg8 : memref<!tpu.dma_semaphore, #tpu.memory_space<semaphore_mem>>) src(%dma_wait3A_193 : memref<2000000x64xf32, #tpu.memory_space<hbm>>) dst(%dma_wait3A_187 : memref<128x64xf32, #tpu.memory_space<vmem>>)
      %dma_wait3A_194 = arith.constant 7 : i32
      %dma_wait3A_195 = arith.constant 384 : i32
      %dma_wait3A_196 = arith.constant 0 : i32
      %dma_wait3A_197 = tpu.memref_slice %arg7[%dma_wait3A_195, %dma_wait3A_196] : memref<512x64xf32, #tpu.memory_space<vmem>> -> memref<128x64xf32, #tpu.memory_space<vmem>>
      %dma_wait3A_198 = arith.constant 0 : i32
      %dma_wait3A_199 = tpu.memref_slice %arg5[%dma_wait3A_194, %dma_wait3A_198] : memref<8x128xi32, #tpu.memory_space<vmem>> -> memref<1x128xi32, #tpu.memory_space<vmem>>
      %dma_wait3A_200 = tpu.memref_squeeze %dma_wait3A_199 : memref<1x128xi32, #tpu.memory_space<vmem>> -> memref<128xi32, #tpu.memory_space<vmem>>
      %dma_wait3A_201 = arith.constant 0 : i32
      %dma_wait3A_202 = arith.constant 0 : i32
      %dma_wait3A_203 = tpu.memref_slice %arg3[%dma_wait3A_201, %dma_wait3A_202] : memref<2000000x64xf32, #tpu.memory_space<hbm>> -> memref<2000000x64xf32, #tpu.memory_space<hbm>>
      tpu.wait_indirect_dma semaphore(%arg8 : memref<!tpu.dma_semaphore, #tpu.memory_space<semaphore_mem>>) src(%dma_wait3A_203 : memref<2000000x64xf32, #tpu.memory_space<hbm>>) dst(%dma_wait3A_197 : memref<128x64xf32, #tpu.memory_space<vmem>>)
      %mul3A_204 = arith.constant 8 : i32
      %mul3A_205 = arith.muli %scan3A_17, %mul3A_204 : i32
      %add3A_206 = arith.addi %mul3A_2, %mul3A_205 : i32
      %add3A_207 = arith.constant 4 : i32
      %add3A_208 = arith.addi %add3A_206, %add3A_207 : i32
      %mul3A_209 = arith.constant 128 : i32
      %mul3A_210 = arith.muli %add3A_208, %mul3A_209 : i32
      %dma_start3A_211 = arith.constant 0 : i32
      %dma_start3A_212 = tpu.memref_slice %arg4[%mul3A_210, %dma_start3A_211] : memref<819200x128xf32, #tpu.memory_space<hbm>> -> memref<512x64xf32, #tpu.memory_space<hbm>>
      %dma_start3A_213 = arith.constant 0 : i32
      %dma_start3A_214 = tpu.memref_slice %arg4[%mul3A_210, %dma_start3A_213] : memref<819200x128xf32, #tpu.memory_space<hbm>> -> memref<512x64xf32, #tpu.memory_space<hbm>>
      tpu.enqueue_dma source(%arg7 : memref<512x64xf32, #tpu.memory_space<vmem>>) target(%dma_start3A_214 : memref<512x64xf32, #tpu.memory_space<hbm>>) target_semaphore(%arg9 : memref<!tpu.dma_semaphore, #tpu.memory_space<semaphore_mem>>)
    }
    %scan3A_7 = arith.constant 25 : i32
    %add3A_8 = arith.constant 192 : i32
    %add3A_9 = arith.addi %mul3A_2, %add3A_8 : i32
    %add3A_10 = arith.constant 4 : i32
    %add3A_11 = arith.addi %add3A_9, %add3A_10 : i32
    %mul3A_12 = arith.constant 128 : i32
    %mul3A_13 = arith.muli %add3A_11, %mul3A_12 : i32
    %dma_wait3A = arith.constant 0 : i32
    %dma_wait3A_14 = tpu.memref_slice %arg4[%mul3A_13, %dma_wait3A] : memref<819200x128xf32, #tpu.memory_space<hbm>> -> memref<512x64xf32, #tpu.memory_space<hbm>>
    %dma_wait3A_15 = arith.constant 0 : i32
    %dma_wait3A_16 = tpu.memref_slice %arg4[%mul3A_13, %dma_wait3A_15] : memref<819200x128xf32, #tpu.memory_space<hbm>> -> memref<512x64xf32, #tpu.memory_space<hbm>>
    tpu.wait_dma2 semaphore(%arg9 : memref<!tpu.dma_semaphore, #tpu.memory_space<semaphore_mem>>) src(%arg7 : memref<512x64xf32, #tpu.memory_space<vmem>>) dst(%dma_wait3A_16 : memref<512x64xf32, #tpu.memory_space<hbm>>)
    return
  }
}

</mosaic_0001>

<sc_bundles>
// kernel: _embedding_gather.3.cloned.1.call-start
scs
__scs_entry_jumppad:
0x0: {  	(pc) =	sbr.rel $0x88, $3  }
0x1: {  	(tag) =	ssettag $0x0;
	lr =	simm.s32 $0x1  }
0x2: {  	[smem:$0x3F9F] =	sst lr;
	_ =	strace $0xD0000000  }
0x3: {  	_ = 	snop  }
0x4: {  	_ = 	snop  }
0x5: {  	_ = 	snop  }
0x6: {  	_ = 	snop  }
0x7: {  	_ = 	snop  }
__scs_overlays_trampoline_lowered:
0x8: {  	[smem:$0x3FAE] =	sst s0  }
0x9: {  	[smem:$0x3FAF] =	sst s1  }
0xa: {  	[smem:$0x3FB0] =	sst s2  }
0xb: {  	[smem:$0x3FB1] =	sst s3  }
0xc: {  	[smem:$0x3FB2] =	sst s4  }
0xd: {  	[smem:$0x3FB3] =	sst s5  }
0xe: {  	[smem:$0x3FB4] =	sst s6  }
0xf: {  	[smem:$0x3FB5] =	sst s7  }
0x10: {  	[smem:$0x3FB6] =	sst s8  }
0x11: {  	[smem:$0x3FB7] =	sst s9;
	s0 =	simm.s32 @!p0 $0x0  }
0x12: {  	s1 =	sld [smem:$0x3F9D];
	s0 =	simm.s32 @p0 $0x1  }
0x13: {  	[smem:$0x3FB8] =	sst s0;
	s0 =	simm.s32 @!p1 $0x0  }
0x14: {  	s2 =	sld [smem:$0x3F9C];
	s0 =	simm.s32 @p1 $0x1  }
0x15: {  	[smem:$0x3FB9] =	sst s0;
	s0 =	simm.s32 @!p2 $0x0  }
0x16: {  	s3 =	sld [smem:$0x3FDB];
	s0 =	simm.s32 @p2 $0x1  }
0x17: {  	s4 =	simm.s32 $0x1BF5;
	[smem:$0x3FBB] =	sst s0  }
0x18: {  	s0 =	sld [smem:$0x3F9E];
	_ =	swait.ge [sflag:s4], $0x0  }
0x19: {  	s7 =	sld [smem:$0x3F9F]  }
0x1a: {  	s8 =	sadd.s32 $0xFFFFE003, lr  }
0x1b: {  	s9 =	sadd.s32 $0xFFFFFEF7, lr;
	s5 =	simm.s32 $0xFFFFFFFF;
	p2 =	slt.u32 s8, $0xFFFFF086  }
0x1c: {  	p1 =	slt.u32 s9, $0xF7A;
	s5 =	simm.s32 @!p2 $0x0  }
0x1d: {  	s5 =	simm.s32 @p1 $0x1;
	p0 =	seq.s32 s7, s2  }
0x1e: {  	s7 =	smul.u32 @!p0 $0xF7A, s2;
	p2 =	seq.s32 @!p0 s5, $0x0  }
0x1f: {  	s9 =	smul.u32 $0xF7A, s1;
	s8 =	simm.s32 @!p0 $0x1BF5;
	p2 =	por !p2, p0  }
0x20: {  	[sflag:s8] =	ssyncset.s32 @!p0 $0xFFFFF086;
	s6 =	sadd.s32 @!p0 s3, s7;
	s7 =	simm.s32 @!p0 $0x108  }
0x21: {  	s3 =	sadd.s32 s3, s9;
	s6 =	sadd.s32 @!p0 $0x88, s6;
	s7 =	simm.s32 @p2 $0x1082  }
0x22: {  	[simem:s7], [sflag:s8] =	dma.local @!p0 [hbm:s6], $0xF7A  }
0x23: {  	s9 =	sor.u32 $0xD0000000, s2;
	s6 =	simm.s32 $0x108;
	_ =	swait.ge @!p0 [sflag:s8], $0x0  }
0x24: {  	s3 =	sadd.s32 $0x88, s3;
	s6 =	simm.s32 @!p1 $0x1082;
	[sflag:s4] =	ssyncset.s32 $0xFFFFF086  }
0x25: {  	[simem:s6], [sflag:s4] =	dma.local [hbm:s3], $0xF7A  }
0x26: {  	[smem:$0x3F9F] =	sst s1;
	(tag) =	ssettag s2;
	_ =	strace s9  }
0x27: {  	s1 =	sld [smem:$0x3FAF]  }
0x28: {  	s2 =	sld [smem:$0x3FB0]  }
0x29: {  	s4 =	sld [smem:$0x3FB2]  }
0x2a: {  	p0 =	seq.s32 s5, $0x0;
	s5 =	sld [smem:$0x3FB3]  }
0x2b: {  	s6 =	sld [smem:$0x3FB4]  }
0x2c: {  	s7 =	sld [smem:$0x3FB5]  }
0x2d: {  	s3 =	simm.s32 $0x108;
	s8 =	sld [smem:$0x3FB6]  }
0x2e: {  	s3 =	simm.s32 @!p0 $0x1082;
	s9 =	sld [smem:$0x3FB7]  }
0x2f: {  	lr =	sadd.s32 s0, s3;
	s0 =	sld [smem:$0x3FAE]  }
0x30: {  	s3 =	sld [smem:$0x3FB1]  }
0x31: {  	[smem:$0x3FBA] =	sst s10  }
0x32: {  	s10 =	sld [smem:$0x3FB8];
	_ =	sdelay $0x3  }
0x33: {  	p0 =	seq.s32 s10, $0x1;
	s10 =	sld [smem:$0x3FBA];
	_ =	sdelay $0x3  }
0x34: {  	[smem:$0x3FBA] =	sst s10  }
0x35: {  	s10 =	sld [smem:$0x3FB9];
	_ =	sdelay $0x3  }
0x36: {  	p1 =	seq.s32 s10, $0x1;
	s10 =	sld [smem:$0x3FBA];
	_ =	sdelay $0x3  }
0x37: {  	[smem:$0x3FBA] =	sst s10  }
0x38: {  	s10 =	sld [smem:$0x3FBB]  }
0x39: {  	_ = 	snop;
	(pc) =	sbr.ind lr, $3  }
0x3a: {  	_ = 	snop  }
0x3b: {  	_ = 	snop  }
0x3c: {  	p2 =	seq.s32 s10, $0x1;
	s10 =	sld [smem:$0x3FBA]  }
0x3d: {  	_ =	shalt  }
0x3e: {  	_ =	shalt  }
0x3f: {  	_ =	shalt  }
0x40: {  	_ =	shalt  }
0x41: {  	_ =	shalt  }
0x42: {  	_ =	shalt  }
0x43: {  	_ =	shalt  }
0x44: {  	_ =	shalt  }
0x45: {  	_ =	shalt  }
0x46: {  	_ =	shalt  }
0x47: {  	_ =	shalt  }
0x48: {  	_ =	shalt  }
0x49: {  	_ =	shalt  }
0x4a: {  	_ =	shalt  }
0x4b: {  	_ =	shalt  }
0x4c: {  	_ =	shalt  }
0x4d: {  	_ =	shalt  }
0x4e: {  	_ =	shalt  }
0x4f: {  	_ =	shalt  }
0x50: {  	_ =	shalt  }
0x51: {  	_ =	shalt  }
0x52: {  	_ =	shalt  }
0x53: {  	_ =	shalt  }
0x54: {  	_ =	shalt  }
0x55: {  	_ =	shalt  }
0x56: {  	_ =	shalt  }
0x57: {  	_ =	shalt  }
0x58: {  	_ =	shalt  }
0x59: {  	_ =	shalt  }
0x5a: {  	_ =	shalt  }
0x5b: {  	_ =	shalt  }
0x5c: {  	_ =	shalt  }
0x5d: {  	_ =	shalt  }
0x5e: {  	_ =	shalt  }
0x5f: {  	_ =	shalt  }
0x60: {  	_ =	shalt  }
0x61: {  	_ =	shalt  }
0x62: {  	_ =	shalt  }
0x63: {  	_ =	shalt  }
0x64: {  	_ =	shalt  }
0x65: {  	_ =	shalt  }
0x66: {  	_ =	shalt  }
0x67: {  	_ =	shalt  }
0x68: {  	_ =	shalt  }
0x69: {  	_ =	shalt  }
0x6a: {  	_ =	shalt  }
0x6b: {  	_ =	shalt  }
0x6c: {  	_ =	shalt  }
0x6d: {  	_ =	shalt  }
0x6e: {  	_ =	shalt  }
0x6f: {  	_ =	shalt  }
0x70: {  	_ =	shalt  }
0x71: {  	_ =	shalt  }
0x72: {  	_ =	shalt  }
0x73: {  	_ =	shalt  }
0x74: {  	_ =	shalt  }
0x75: {  	_ =	shalt  }
0x76: {  	_ =	shalt  }
0x77: {  	_ =	shalt  }
0x78: {  	_ =	shalt  }
0x79: {  	_ =	shalt  }
0x7a: {  	_ =	shalt  }
0x7b: {  	_ =	shalt  }
0x7c: {  	_ =	shalt  }
0x7d: {  	_ =	shalt  }
0x7e: {  	_ =	shalt  }
0x7f: {  	_ =	shalt  }
0x80: {  	_ =	shalt  }
0x81: {  	_ =	shalt  }
0x82: {  	_ =	shalt  }
0x83: {  	_ =	shalt  }
0x84: {  	_ =	shalt  }
0x85: {  	_ =	shalt  }
0x86: {  	_ =	shalt  }
0x87: {  	_ =	shalt  }
.Lfunc_end0:
.L_simem_size_0:
called_computation_lowered:
.L_overlay_start_0:
0x88: {  	s2 =	sld [smem:$0x3FD9]  }
0x89: {  	s3 =	sld [smem:$0x3FFE];
	_ =	sdelay $0x1  }
0x8a: {  	s1 =	srdreg.scid  }
0x8b: {  	s0 =	sand.u32 $0x1, s1  }
0x8c: {  	s17 =	sshll.u32 s0, $0xA;
	s2 =	sadd.s32 s3, s2  }
0x8d: {  	s2 =	sadd.s32 s2, s17  }
0x8e: {  	[smem:$0x3FC6] =	sst s2  }
0x8f: {  	_ = 	snop  }
0x90: {  	s2 =	sld [smem:$0x3FC9]  }
0x91: {  	s18 =	sld [smem:$0x3FD0];
	(tm) =	ssettm $0x1  }
0x92: {  	s4 =	sld [smem:$0x3FFB];
	_ =	sdelay $0x3  }
0x93: {  	_ =	strace s4  }
0x94: {  	s4 =	sld [smem:$0x3FFC];
	_ =	sdelay $0x3  }
0x95: {  	_ =	strace s4  }
0x96: {  	s4 =	sld [smem:$0x3FFD];
	_ =	sdelay $0x3  }
0x97: {  	_ =	strace s4  }
0x98: {  	_ =	strace $0x8FFFFFFF  }
0x99: {  	s19 =	sld [smem:$0x3FDB];
	_ =	sdelay $0x1  }
0x9a: {  	s5 =	simm.s32 $_scs_section_size  }
0x9b: {  	s6 =	simm.s32 $_size__tile_overlayer_lowered;
	s7 =	simm.s32 $_tile_overlayer_lowered  }
0x9c: {  	s22 =	simm.s32 $0x1BFF;
	s21 =	sshll.u32 s7, $0x1;
	s4 =	sadd.s32 s5, s19  }
0x9d: {  	s8 =	simm.s32 $0x0;
	s20 =	sshll.u32 s6, $0x1;
	s6 =	sadd.s32 s21, s4  }
0x9e: {  	[timem:s8], [sflag:s22] =	dma.local [hbm:s6], s20  }
0x9f: {  	_ =	swait.ge [sflag:s22], s20  }
0xa0: {  	s5 =	ssub.s32 $0x0, s20;
	[sflag:s22] =	ssyncset.done $0x0  }
0xa1: {  	[sflag:s22] =	ssyncadd.s32 s5;
	_ =	sdelay $0x1  }
0xa2: {  	s23 =	simm.s32 $0x1B8B  }
0xa3: {  	_ =	swait.ge [sflag:s23], $0x1  }
0xa4: {  	[sflag:s23] =	ssyncset.done $0x0  }
0xa5: {  	s25 =	simm.s32 $0x1B8E;
	s24 =	sld [smem:$0x3FFE];
	[sflag:s23] =	ssyncadd.s32 $0xFFFFFFFF  }
0xa6: {  	s26 =	simm.s32 $execute0_lowered;
	[smem:$0x3FD2] =	sst s25  }
0xa7: {  	s6 =	sshll.u32 s26, $0x1;
	_ =	strace $0x80000046;
	[dreg:$0x1] =	wrdreg $0xFFFFFFFF  }
0xa8: {  	s28 =	simm.s32 $_size_execute0_lowered;
	s4 =	sadd.s32 s4, s6;
	[dreg:$0x0] =	wrdreg $0x0  }
0xa9: {  	s6 =	sshll.u32 s28, $0x1;
	[dreg:$0x2] =	wrdreg s4  }
0xaa: {  	[dreg:$0x3] =	wrdreg s6  }
0xab: {  	[dreg:$0x4] =	wrdreg $0xC0  }
0xac: {  	_ =	task [dreg:s8], $0x5FFFF  }
0xad: {  	[dreg:$0x1] =	wrdreg $0xFFFFFFFF  }
0xae: {  	[dreg:$0x0] =	wrdreg $0x60  }
0xaf: {  	[dreg:$0x2] =	wrdreg s2  }
0xb0: {  	[dreg:$0x3] =	wrdreg s24  }
0xb1: {  	[dreg:$0x4] =	wrdreg s18  }
0xb2: {  	[dreg:$0x5] =	wrdreg $0x9  }
0xb3: {  	_ =	task.clear_ibuf [dreg:s8], $0x6FFFF;
	_ =	strace $0x90000046  }
0xb4: {  	s29 =	simm.s32 $0x9;
	_ =	strace $0x80000048  }
0xb5: {  	_ =	swait.ge [sflag:s29], $0x1  }
0xb6: {  	[sflag:s29] =	ssyncadd.s32 $0xFFFFFFFF  }
0xb7: {  	_ =	strace $0x90000048  }
0xb8: {  	_ =	sfence  }
0xb9: {  	s30 =	sld [smem:$0x0];
	_ =	sdelay $0x2  }
0xba: {  	s31 =	sshll.u32 s1, $0xD;
	s1 =	sshrl.u32 s1, $0x2  }
0xbb: {  	s3 =	sand.u32 $0x4000, s31;
	s1 =	sadd.s32 s1, s30  }
0xbc: {  	s0 =	sor.u32 s3, s0;
	s1 =	sshll.u32 s1, $0x11  }
0xbd: {  	s0 =	sor.u32 s1, s0  }
0xbe: {  	s0 =	sadd.s32 $0x8F2B, s0  }
0xbf: {  	[sflag:s0] =	ssyncadd.remote.s32 $0x1  }
0xc0: {  	_ =	sfence.sel $0xFFFF  }
0xc1: {  	[dreg:$0x0] =	wrdreg $0xFFFFFFFF;
	(pc) =	sbr.abs _section_cstart, $3  }
0xc2: {  	[dreg:$0x1] =	wrdreg $0xFFFFFFFF  }
0xc3: {  	_ =	task.clear_ibuf [dreg:s8], $0x2FFFF;
	_ =	strace $0x9FFFFFFF  }
0xc4: {  	(tm) =	ssettm $0x7FFFFFFF  }
0xc5: {  	_ =	shalt  }
tec
execute0_lowered:
.L_overlay_start_1:
0x0: {  	(tag) =	ssettag $0x1  }
0x1: {  	s0 =	rddreg [dreg:$0x0]  }
0x2: {  	s1 =	rddreg [dreg:$0x1];
	s2 =	srdreg.scid  }
0x3: {  	s10 =	stileid.u32;
	s6 =	rddreg [dreg:$0x2]  }
0x4: {  	s11 =	simm.s32 $0x400;
	s12 =	simm.s32 $0x2400;
	s13 =	simm.s32 $0x100  }
0x5: {  	s14 =	simm.s32 $0x4400;
	s15 =	simm.s32 $0x180;
	s16 =	simm.s32 $0x6400  }
0x6: {  	s17 =	simm.s32 $0x1;
	s18 =	simm.s32 $0x40;
	s19 =	simm.s32 $0x200  }
0x7: {  	s20 =	simm.s32 $0x8400;
	s21 =	simm.s32 $0x280;
	s22 =	simm.s32 $0xA400  }
0x8: {  	s23 =	simm.s32 $0x300;
	s28 =	simm.s32 $0x2;
	s25 =	smul.u32 $0xC8000, s10  }
0x9: {  	s7 =	sand.u32 $0x1, s2;
	s24 =	sshll.u32 s10, $0x1;
	s10 =	smul.u32 $0x1900, s10  }
0xa: {  	s29 =	simm.s32 $0x80;
	s30 =	simm.s32 $0x0;
	s26 =	smul.u32 $0x64000, s7  }
0xb: {  	s2 =	simm.s32 $0x0;
	s3 =	sor.u32 s7, s24;
	s31 =	smul.u32 $0xC80, s7  }
0xc: {  	s4 =	ssub.s32 $0x2, s7;
	[smem:$0x7FF] =	sst s2;
	s5 =	smul.u32 $0xC80, s3  }
0xd: {  	s24 =	simm.s32 $0xC400;
	s8 =	sshrl.u32 s4, $0x1;
	s9 =	smul.u32 $0x64000, s3  }
0xe: {  	_ =	strace $0x80000047;
	s3 =	sadd.s32 $0x1E84C00, s1;
	s4 =	ssub.s32 s4, s8  }
0xf: {  	s8 =	sadd.s32 s25, s6;
	s25 =	simm.s32 $0x380;
	s4 =	smax.u32 s4, $0x1  }
0x10: {  	s5 =	sadd.s32 s0, s5;
	s6 =	sadd.s32 s6, s9;
	s1 =	sadd.s32 s26, s8  }
0x11: {  	s0 =	sadd.s32 s10, s0;
	s10 =	simm.s32 $0x3;
	s26 =	simm.s32 $0xE400  }
0x12: {  	s7 =	sadd.s32 $0x2000, s6;
	s8 =	sadd.s32 $0x4000, s1;
	s9 =	sadd.s32 s31, s0  }
.LBB2_1:
0x13: {  	[tilespmem:s2], [sflag:$0x3] =	stream.linear.gather [hbm4b:s5+s2], $0x400, $0x38;
	[tilespmem:$0x10400] =	vst v63  }
0x14: {  	_ =	swait.ge [sflag:s10], $0x400  }
0x15: {  	[sflag:s10] =	ssyncset.done $0x0  }
0x16: {  	[sflag:s10] =	ssyncadd.s32 $0xFFFFFC00  }
0x17: {  	[tilespmem:s11], [sflag:$0x1] =	stream.indirect.gather [hbm4b:s3+s29], $0x40, s2, s29, $0xb8;
	[tilespmem:$0x10400] =	vst v63  }
0x18: {  	_ = 	snop  }
0x19: {  	[tilespmem:s12], [sflag:$0x1] =	stream.indirect.gather [hbm4b:s3+s29], $0x40, s29, s29, $0xb8;
	[tilespmem:$0x10400] =	vst v63  }
0x1a: {  	_ = 	snop  }
0x1b: {  	[tilespmem:s14], [sflag:$0x1] =	stream.indirect.gather [hbm4b:s3+s29], $0x40, s13, s29, $0xb8;
	[tilespmem:$0x10400] =	vst v63  }
0x1c: {  	_ = 	snop  }
0x1d: {  	[tilespmem:s16], [sflag:$0x1] =	stream.indirect.gather [hbm4b:s3+s29], $0x40, s15, s29, $0xb8;
	[tilespmem:$0x10400] =	vst v63  }
0x1e: {  	_ =	swait.ge [sflag:s17], $0x2000  }
0x1f: {  	[sflag:s17] =	ssyncset.done $0x0  }
0x20: {  	[sflag:s17] =	ssyncadd.s32 $0xFFFFE000  }
0x21: {  	_ =	swait.ge [sflag:s17], $0x2000  }
0x22: {  	[sflag:s17] =	ssyncset.done $0x0  }
0x23: {  	[sflag:s17] =	ssyncadd.s32 $0xFFFFE000  }
0x24: {  	_ =	swait.ge [sflag:s17], $0x2000  }
0x25: {  	[sflag:s17] =	ssyncset.done $0x0  }
0x26: {  	[sflag:s17] =	ssyncadd.s32 $0xFFFFE000  }
0x27: {  	_ =	swait.ge [sflag:s17], $0x2000  }
0x28: {  	[sflag:s17] =	ssyncset.done $0x0  }
0x29: {  	[sflag:s17] =	ssyncadd.s32 $0xFFFFE000  }
0x2a: {  	[hbm4b:s6+s18] =	stream.strided.scatter [tilespmem:s11], [sflag:$0x2], $0x8000, s29, s18, $0x38;
	[tilespmem:$0x10400] =	vst v63  }
0x2b: {  	_ = 	snop  }
0x2c: {  	[tilespmem:s20], [sflag:$0x1] =	stream.indirect.gather [hbm4b:s3+s29], $0x40, s19, s29, $0xb8;
	[tilespmem:$0x10400] =	vst v63  }
0x2d: {  	_ = 	snop  }
0x2e: {  	[tilespmem:s22], [sflag:$0x1] =	stream.indirect.gather [hbm4b:s3+s29], $0x40, s21, s29, $0xb8;
	[tilespmem:$0x10400] =	vst v63  }
0x2f: {  	_ = 	snop  }
0x30: {  	[tilespmem:s24], [sflag:$0x1] =	stream.indirect.gather [hbm4b:s3+s29], $0x40, s23, s29, $0xb8;
	[tilespmem:$0x10400] =	vst v63  }
0x31: {  	_ = 	snop  }
0x32: {  	[tilespmem:s26], [sflag:$0x1] =	stream.indirect.gather [hbm4b:s3+s29], $0x40, s25, s29, $0xb8;
	[tilespmem:$0x10400] =	vst v63  }
0x33: {  	_ =	swait.ge [sflag:s28], $0x8000  }
0x34: {  	[sflag:s28] =	ssyncset.done $0x0  }
0x35: {  	[sflag:s28] =	ssyncadd.s32 $0xFFFF8000  }
0x36: {  	_ =	swait.ge [sflag:s17], $0x2000  }
0x37: {  	[sflag:s17] =	ssyncset.done $0x0  }
0x38: {  	[sflag:s17] =	ssyncadd.s32 $0xFFFFE000  }
0x39: {  	_ =	swait.ge [sflag:s17], $0x2000  }
0x3a: {  	[sflag:s17] =	ssyncset.done $0x0  }
0x3b: {  	[sflag:s17] =	ssyncadd.s32 $0xFFFFE000  }
0x3c: {  	_ =	swait.ge [sflag:s17], $0x2000  }
0x3d: {  	[sflag:s17] =	ssyncset.done $0x0  }
0x3e: {  	[sflag:s17] =	ssyncadd.s32 $0xFFFFE000  }
0x3f: {  	_ =	swait.ge [sflag:s17], $0x2000  }
0x40: {  	[sflag:s17] =	ssyncset.done $0x0  }
0x41: {  	[sflag:s17] =	ssyncadd.s32 $0xFFFFE000  }
0x42: {  	[hbm4b:s7+s18] =	stream.strided.scatter [tilespmem:s20], [sflag:$0x2], $0x8000, s29, s18, $0x38;
	[tilespmem:$0x10400] =	vst v63  }
0x43: {  	s0 =	sadd.s32 $0x80, s9  }
0x44: {  	[tilespmem:s2], [sflag:$0x3] =	stream.linear.gather [hbm4b:s0+s2], $0x400, $0x38;
	[tilespmem:$0x10400] =	vst v63  }
0x45: {  	_ =	swait.ge [sflag:s10], $0x400  }
0x46: {  	[sflag:s10] =	ssyncset.done $0x0  }
0x47: {  	[sflag:s10] =	ssyncadd.s32 $0xFFFFFC00  }
0x48: {  	[tilespmem:s11], [sflag:$0x1] =	stream.indirect.gather [hbm4b:s3+s29], $0x40, s2, s29, $0xb8;
	[tilespmem:$0x10400] =	vst v63  }
0x49: {  	_ = 	snop  }
0x4a: {  	[tilespmem:s12], [sflag:$0x1] =	stream.indirect.gather [hbm4b:s3+s29], $0x40, s29, s29, $0xb8;
	[tilespmem:$0x10400] =	vst v63  }
0x4b: {  	_ = 	snop  }
0x4c: {  	[tilespmem:s14], [sflag:$0x1] =	stream.indirect.gather [hbm4b:s3+s29], $0x40, s13, s29, $0xb8;
	[tilespmem:$0x10400] =	vst v63  }
0x4d: {  	_ = 	snop  }
0x4e: {  	[tilespmem:s16], [sflag:$0x1] =	stream.indirect.gather [hbm4b:s3+s29], $0x40, s15, s29, $0xb8;
	[tilespmem:$0x10400] =	vst v63  }
0x4f: {  	_ =	swait.ge [sflag:s28], $0x8000  }
0x50: {  	[sflag:s28] =	ssyncset.done $0x0  }
0x51: {  	[sflag:s28] =	ssyncadd.s32 $0xFFFF8000  }
0x52: {  	_ =	swait.ge [sflag:s17], $0x2000  }
0x53: {  	[sflag:s17] =	ssyncset.done $0x0  }
0x54: {  	[sflag:s17] =	ssyncadd.s32 $0xFFFFE000  }
0x55: {  	_ =	swait.ge [sflag:s17], $0x2000  }
0x56: {  	[sflag:s17] =	ssyncset.done $0x0  }
0x57: {  	[sflag:s17] =	ssyncadd.s32 $0xFFFFE000  }
0x58: {  	_ =	swait.ge [sflag:s17], $0x2000  }
0x59: {  	[sflag:s17] =	ssyncset.done $0x0  }
0x5a: {  	[sflag:s17] =	ssyncadd.s32 $0xFFFFE000  }
0x5b: {  	_ =	swait.ge [sflag:s17], $0x2000  }
0x5c: {  	[sflag:s17] =	ssyncset.done $0x0  }
0x5d: {  	[sflag:s17] =	ssyncadd.s32 $0xFFFFE000  }
0x5e: {  	[hbm4b:s8+s18] =	stream.strided.scatter [tilespmem:s11], [sflag:$0x2], $0x8000, s29, s18, $0x38;
	[tilespmem:$0x10400] =	vst v63  }
0x5f: {  	_ = 	snop  }
0x60: {  	[tilespmem:s20], [sflag:$0x1] =	stream.indirect.gather [hbm4b:s3+s29], $0x40, s19, s29, $0xb8;
	[tilespmem:$0x10400] =	vst v63  }
0x61: {  	_ = 	snop  }
0x62: {  	[tilespmem:s22], [sflag:$0x1] =	stream.indirect.gather [hbm4b:s3+s29], $0x40, s21, s29, $0xb8;
	[tilespmem:$0x10400] =	vst v63  }
0x63: {  	_ = 	snop  }
0x64: {  	[tilespmem:s24], [sflag:$0x1] =	stream.indirect.gather [hbm4b:s3+s29], $0x40, s23, s29, $0xb8;
	[tilespmem:$0x10400] =	vst v63  }
0x65: {  	_ = 	snop  }
0x66: {  	[tilespmem:s26], [sflag:$0x1] =	stream.indirect.gather [hbm4b:s3+s29], $0x40, s25, s29, $0xb8;
	[tilespmem:$0x10400] =	vst v63  }
0x67: {  	_ =	swait.ge [sflag:s28], $0x8000  }
0x68: {  	[sflag:s28] =	ssyncset.done $0x0  }
0x69: {  	[sflag:s28] =	ssyncadd.s32 $0xFFFF8000  }
0x6a: {  	_ =	swait.ge [sflag:s17], $0x2000  }
0x6b: {  	[sflag:s17] =	ssyncset.done $0x0  }
0x6c: {  	[sflag:s17] =	ssyncadd.s32 $0xFFFFE000  }
0x6d: {  	_ =	swait.ge [sflag:s17], $0x2000  }
0x6e: {  	[sflag:s17] =	ssyncset.done $0x0  }
0x6f: {  	[sflag:s17] =	ssyncadd.s32 $0xFFFFE000  }
0x70: {  	_ =	swait.ge [sflag:s17], $0x2000  }
0x71: {  	[sflag:s17] =	ssyncset.done $0x0  }
0x72: {  	[sflag:s17] =	ssyncadd.s32 $0xFFFFE000  }
0x73: {  	_ =	swait.ge [sflag:s17], $0x2000  }
0x74: {  	s31 =	simm.s32 $0x100;
	[sflag:s17] =	ssyncset.done $0x0  }
0x75: {  	s1 =	sadd.s32 $0x4000, s8;
	s0 =	sadd.s32 $0x2000, s8;
	[sflag:s17] =	ssyncadd.s32 $0xFFFFE000  }
.LBB2_2:
0x76: {  	[hbm4b:s0+s18] =	stream.strided.scatter [tilespmem:s20], [sflag:$0x2], $0x8000, s29, s18, $0x38;
	[tilespmem:$0x10400] =	vst v63  }
0x77: {  	s0 =	sadd.s32 s31, s9;
	p0 =	sne.s32 s31, $0xC00;
	s31 =	sadd.s32 $0x80, s31  }
0x78: {  	[tilespmem:s2], [sflag:$0x3] =	stream.linear.gather [hbm4b:s0+s2], $0x400, $0x38;
	[tilespmem:$0x10400] =	vst v63  }
0x79: {  	_ =	swait.ge [sflag:s10], $0x400  }
0x7a: {  	[sflag:s10] =	ssyncset.done $0x0  }
0x7b: {  	[sflag:s10] =	ssyncadd.s32 $0xFFFFFC00  }
0x7c: {  	[tilespmem:s11], [sflag:$0x1] =	stream.indirect.gather [hbm4b:s3+s29], $0x40, s2, s29, $0xb8;
	[tilespmem:$0x10400] =	vst v63  }
0x7d: {  	_ = 	snop  }
0x7e: {  	[tilespmem:s12], [sflag:$0x1] =	stream.indirect.gather [hbm4b:s3+s29], $0x40, s29, s29, $0xb8;
	[tilespmem:$0x10400] =	vst v63  }
0x7f: {  	_ = 	snop  }
0x80: {  	[tilespmem:s14], [sflag:$0x1] =	stream.indirect.gather [hbm4b:s3+s29], $0x40, s13, s29, $0xb8;
	[tilespmem:$0x10400] =	vst v63  }
0x81: {  	_ = 	snop  }
0x82: {  	[tilespmem:s16], [sflag:$0x1] =	stream.indirect.gather [hbm4b:s3+s29], $0x40, s15, s29, $0xb8;
	[tilespmem:$0x10400] =	vst v63  }
0x83: {  	_ =	swait.ge [sflag:s28], $0x8000  }
0x84: {  	[sflag:s28] =	ssyncset.done $0x0  }
0x85: {  	[sflag:s28] =	ssyncadd.s32 $0xFFFF8000  }
0x86: {  	_ =	swait.ge [sflag:s17], $0x2000  }
0x87: {  	[sflag:s17] =	ssyncset.done $0x0  }
0x88: {  	[sflag:s17] =	ssyncadd.s32 $0xFFFFE000  }
0x89: {  	_ =	swait.ge [sflag:s17], $0x2000  }
0x8a: {  	[sflag:s17] =	ssyncset.done $0x0  }
0x8b: {  	[sflag:s17] =	ssyncadd.s32 $0xFFFFE000  }
0x8c: {  	_ =	swait.ge [sflag:s17], $0x2000  }
0x8d: {  	[sflag:s17] =	ssyncset.done $0x0  }
0x8e: {  	[sflag:s17] =	ssyncadd.s32 $0xFFFFE000  }
0x8f: {  	_ =	swait.ge [sflag:s17], $0x2000  }
0x90: {  	[sflag:s17] =	ssyncset.done $0x0  }
0x91: {  	[sflag:s17] =	ssyncadd.s32 $0xFFFFE000  }
0x92: {  	[hbm4b:s1+s18] =	stream.strided.scatter [tilespmem:s11], [sflag:$0x2], $0x8000, s29, s18, $0x38;
	[tilespmem:$0x10400] =	vst v63  }
0x93: {  	_ = 	snop  }
0x94: {  	[tilespmem:s20], [sflag:$0x1] =	stream.indirect.gather [hbm4b:s3+s29], $0x40, s19, s29, $0xb8;
	[tilespmem:$0x10400] =	vst v63  }
0x95: {  	_ = 	snop  }
0x96: {  	[tilespmem:s22], [sflag:$0x1] =	stream.indirect.gather [hbm4b:s3+s29], $0x40, s21, s29, $0xb8;
	[tilespmem:$0x10400] =	vst v63  }
0x97: {  	_ = 	snop  }
0x98: {  	[tilespmem:s24], [sflag:$0x1] =	stream.indirect.gather [hbm4b:s3+s29], $0x40, s23, s29, $0xb8;
	[tilespmem:$0x10400] =	vst v63  }
0x99: {  	_ = 	snop  }
0x9a: {  	[tilespmem:s26], [sflag:$0x1] =	stream.indirect.gather [hbm4b:s3+s29], $0x40, s25, s29, $0xb8;
	[tilespmem:$0x10400] =	vst v63  }
0x9b: {  	_ =	swait.ge [sflag:s28], $0x8000  }
0x9c: {  	[sflag:s28] =	ssyncset.done $0x0  }
0x9d: {  	[sflag:s28] =	ssyncadd.s32 $0xFFFF8000  }
0x9e: {  	_ =	swait.ge [sflag:s17], $0x2000  }
0x9f: {  	[sflag:s17] =	ssyncset.done $0x0  }
0xa0: {  	[sflag:s17] =	ssyncadd.s32 $0xFFFFE000  }
0xa1: {  	_ =	swait.ge [sflag:s17], $0x2000  }
0xa2: {  	[sflag:s17] =	ssyncset.done $0x0  }
0xa3: {  	[sflag:s17] =	ssyncadd.s32 $0xFFFFE000  }
0xa4: {  	_ =	swait.ge [sflag:s17], $0x2000  }
.Ltmp0:
0xa5: {  	[sflag:s17] =	ssyncset.done $0x0;
	(pc) =	sbr.rel @p0 .LBB2_2-.Ltmp0, $4  }
0xa6: {  	[sflag:s17] =	ssyncadd.s32 $0xFFFFE000  }
0xa7: {  	_ =	swait.ge [sflag:s17], $0x2000  }
0xa8: {  	[sflag:s17] =	ssyncset.done $0x0  }
0xa9: {  	s0 =	sadd.s32 $0x2000, s1;
	s1 =	sadd.s32 $0x4000, s1;
	[sflag:s17] =	ssyncadd.s32 $0xFFFFE000  }
0xaa: {  	s30 =	sadd.s32 $0x1, s30  }
0xab: {  	p0 =	sne.s32 s30, s4  }
.Ltmp1:
0xac: {  	_ = 	snop;
	(pc) =	sbr.rel @p0 .LBB2_1-.Ltmp1, $4  }
0xad: {  	[hbm4b:s0+s18] =	stream.strided.scatter [tilespmem:s20], [sflag:$0x2], $0x8000, s29, s18, $0x38;
	[tilespmem:$0x10400] =	vst v63  }
0xae: {  	_ =	swait.ge [sflag:s28], $0x8000  }
0xaf: {  	[sflag:s28] =	ssyncset.done $0x0  }
0xb0: {  	[sflag:s28] =	ssyncadd.s32 $0xFFFF8000  }
0xb1: {  	_ =	sfence.sel $0x180000  }
0xb2: {  	[bflag:$0x0] =	sbarrier.arrive $0xFFFF  }
0xb3: {  	_ =	strace $0x90000047  }
0xb4: {  	s0 =	stileid.u32;
	[bflag:$0x2] =	sbarrier.arrive $0xFFFF  }
0xb5: {  	p0 =	sne.s32 s0, $0x0;
	s0 =	rddreg [dreg:$0x3]  }
0xb6: {  	s0 =	sadd.s32 @!p0 $0x100000, s0  }
0xb7: {  	[sflag:s0] =	ssyncadd.tile.s32 @!p0 $0x1;
	_ =	shalt  }
.Lfunc_end2:
_tile_overlayer_lowered:
.L_overlay_start_2:
0xb8: {  	(tag) =	ssettag $0x2  }
0xb9: {  	s0 =	rddreg [dreg:$0x0];
	s2 =	stileid.u32  }
0xba: {  	s1 =	rddreg [dreg:$0x1];
	p0 =	sne.s32 s2, $0x0  }
0xbb: {  	s3 =	rddreg [dreg:$0x2];
	[bflag:$0x3] =	sbarrier.arrive $0xFFFF;
	s2 =	simm.s32 @!p0 $0x1C03  }
0xbc: {  	[timem:s3], [sflag:s2] =	dma.local @!p0 [hbm:s0], s1  }
0xbd: {  	s0 =	simm.s32 @!p0 $0x3  }
0xbe: {  	_ =	swait.ge @!p0 [sflag:s0], s1  }
0xbf: {  	s1 =	ssub.s32 @!p0 $0x0, s1;
	[sflag:s0] =	ssyncset.done @!p0 $0x0  }
0xc0: {  	[sflag:s0] =	ssyncadd.s32 @!p0 s1  }
0xc1: {  	[bflag:$0x3] =	sbarrier.arrive $0xFFFF  }
0xc2: {  	_ =	shalt  }

</sc_bundles>
